<compile_context>
chip_gen: v7x
topology: tpu7x:2x2x1
jax: 0.10.2.dev20260603
libtpu: 0.0.44.dev20260713+nightly
codegen_flags: <defaults>
</compile_context>

<pallas_src>
import functools

import jax
import jax.numpy as jnp
from jax import lax
from jax.experimental import pallas as pl
from jax.experimental.pallas import tpu as pltpu
from jax.experimental.pallas import tpu_sc as plsc

B, T, D = 4096, 200, 128
OUT_LEN = 50
L = 16
NC, NS = 2, 16
NW = NC * NS
BPW = B // NW

_mesh = plsc.VectorSubcoreMesh(core_axis_name="c", subcore_axis_name="s")


@functools.partial(
    pl.kernel,
    mesh=_mesh,
    out_type=jax.ShapeDtypeStruct((B, D), jnp.float32),
    scratch_types=[
        pltpu.VMEM((BPW,), jnp.int32),
        pltpu.VMEM((BPW,), jnp.int32),
        pltpu.VMEM((BPW, D), jnp.float32),
        pltpu.SemaphoreType.DMA,
    ],
)
def _gather_last(x_hbm, sl_hbm, out_hbm, sl_v, idx_v, rows_v, gsem):
    wid = lax.axis_index("s") * NC + lax.axis_index("c")
    base = wid * BPW

    pltpu.sync_copy(sl_hbm.at[pl.ds(base, BPW)], sl_v)

    for i in range(BPW // L):
        s = sl_v[pl.ds(i * L, L)]
        t = jnp.where(s == 0, T - 1, s - 1)
        row = (base + i * L) + lax.iota(jnp.int32, L)
        idx_v[pl.ds(i * L, L)] = row * T + t

    pltpu.async_copy(x_hbm.at[idx_v], rows_v, gsem).wait()
    pltpu.sync_copy(rows_v, out_hbm.at[pl.ds(base, BPW)])


def kernel(x, seq_len, out_len):
    del out_len
    g = _gather_last(x.reshape(B * T, D), seq_len.astype(jnp.int32))
    return jnp.broadcast_to(g[:, None, :], (B, OUT_LEN, D))

# --- scband reference (transcript-rebuilt; emitter-appended) ---
"""Pipeline reference for scband-tile-seq-last-59906203844993 (READ-ONLY COPY).

The authoritative reference and input builder live on the scoring server;
editing this copy changes nothing except your own understanding.
"""

import jax, jax.numpy as jnp
import numpy as np

B, T, D = 4096, 200, 128
OUT_LEN = 50

def setup_inputs(seed: int = 0) -> dict:
    key = jax.random.key(seed)
    k1, k2 = jax.random.split(key)
    x = jax.random.normal(k1, (B, T, D), dtype=jnp.float32)
    seq_len = jax.random.randint(k2, (B,), 0, T, dtype=jnp.int64) if jax.config.jax_enable_x64 else jax.random.randint(k2, (B,), 0, T, dtype=jnp.int32)
    return {"x": x, "seq_len": seq_len, "out_len": OUT_LEN}


def reference(x, seq_len, out_len):
    # torch: torch.stack([x[torch.arange(B), seq_len - 1]] * out_len, 1)
    b_idx = jnp.arange(x.shape[0])
    last = x[b_idx, seq_len - 1]  # gather last valid timestep -> [B, D]
    one = out_len - out_len + 1
    return jnp.repeat((last * one)[:, None, :], OUT_LEN, axis=1)  # [B, out_len, D]

if __name__ == "__main__":
    import jax
    _d = setup_inputs()
    print(jax.jit(kernel)(*tuple(_d.values())))

</pallas_src>

<mosaic_0001>
#map = affine_map<(d0, d1) -> (0, 0)>
#map1 = affine_map<(d0, d1) -> (0)>
module attributes {stable_mosaic.version = 14 : i64} {
  func.func @_gather_last(%arg0: i32, %arg1: i32, %arg2: memref<819200x128xf32, #tpu.memory_space<hbm>>, %arg3: memref<4096xi32, #tpu.memory_space<hbm>>, %arg4: memref<4096x128xf32, #tpu.memory_space<hbm>>, %arg5: memref<128xi32, #tpu.memory_space<vmem>>, %arg6: memref<128xi32, #tpu.memory_space<vmem>>, %arg7: memref<128x128xf32, #tpu.memory_space<vmem>>, %arg8: memref<!tpu.dma_semaphore, #tpu.memory_space<semaphore_mem>>) attributes {dimension_semantics = [#tpu.dimension_semantics<core_parallel>, #tpu.dimension_semantics<subcore_parallel>], iteration_bounds = array<i64: 2, 16>, scalar_prefetch = 0 : i64, scratch_operands = 4 : i64, tpu.core_type = #tpu.core_type<sc_vector_subcore>, window_params = [{transform_indices = #map}, {transform_indices = #map1}, {transform_indices = #map}]} {
    %mul3A = arith.constant 2 : i32
    %mul3A_0 = arith.muli %arg1, %mul3A : i32
    %add3A = arith.addi %mul3A_0, %arg0 : i32
    %mul3A_1 = arith.constant 128 : i32
    %mul3A_2 = arith.muli %add3A, %mul3A_1 : i32
    "tpu.region"() ({
      %run_scoped3A = tpu.sem_alloc : memref<!tpu.dma_semaphore, #tpu.memory_space<semaphore_mem>>
      %dma_start3A_199 = tpu.memref_slice %arg3[%mul3A_2] : memref<4096xi32, #tpu.memory_space<hbm>> -> memref<128xi32, #tpu.memory_space<hbm>>
      %dma_start3A_200 = tpu.memref_slice %arg3[%mul3A_2] : memref<4096xi32, #tpu.memory_space<hbm>> -> memref<128xi32, #tpu.memory_space<hbm>>
      tpu.enqueue_dma source(%dma_start3A_200 : memref<128xi32, #tpu.memory_space<hbm>>) target(%arg5 : memref<128xi32, #tpu.memory_space<vmem>>) target_semaphore(%run_scoped3A : memref<!tpu.dma_semaphore, #tpu.memory_space<semaphore_mem>>)
      %dma_wait3A_201 = tpu.memref_slice %arg3[%mul3A_2] : memref<4096xi32, #tpu.memory_space<hbm>> -> memref<128xi32, #tpu.memory_space<hbm>>
      %dma_wait3A_202 = tpu.memref_slice %arg3[%mul3A_2] : memref<4096xi32, #tpu.memory_space<hbm>> -> memref<128xi32, #tpu.memory_space<hbm>>
      tpu.wait_dma2 semaphore(%run_scoped3A : memref<!tpu.dma_semaphore, #tpu.memory_space<semaphore_mem>>) src(%dma_wait3A_202 : memref<128xi32, #tpu.memory_space<hbm>>) dst(%arg5 : memref<128xi32, #tpu.memory_space<vmem>>)
      tpu.yield
    }) : () -> ()
    %get3A = arith.constant 0 : index
    %get3A_3 = tpu.vector_load %arg5[%get3A] {strides = array<i32>} : memref<128xi32, #tpu.memory_space<vmem>>, vector<16xi32>,
    %get3A_4 = vector.shape_cast %get3A_3 : vector<16xi32> to vector<16xi32>
    %eq3A = arith.constant 0 : i32
    %eq3A_5 = vector.broadcast %eq3A : i32 to vector<16xi32>
    %eq3A_6 = arith.cmpi eq, %get3A_4, %eq3A_5 : vector<16xi32>
    %sub3A = arith.constant 1 : i32
    %sub3A_7 = vector.broadcast %sub3A : i32 to vector<16xi32>
    %sub3A_8 = arith.subi %get3A_4, %sub3A_7 : vector<16xi32>
    %jit3A = arith.constant 199 : i32
    %broadcast_in_dim3A = vector.broadcast %jit3A : i32 to vector<16xi32>
    %select_n3A = arith.select %eq3A_6, %broadcast_in_dim3A, %sub3A_8 : vector<16xi1>, vector<16xi32>
    %add3A_9 = arith.constant 0 : i32
    %add3A_10 = arith.addi %mul3A_2, %add3A_9 : i32
    %iota3A = tpu.iota {dimensions = array<i32: 0>} : vector<16xi32>
    %add3A_11 = vector.broadcast %add3A_10 : i32 to vector<16xi32>
    %add3A_12 = arith.addi %add3A_11, %iota3A : vector<16xi32>
    %mul3A_13 = arith.constant 200 : i32
    %mul3A_14 = vector.broadcast %mul3A_13 : i32 to vector<16xi32>
    %mul3A_15 = arith.muli %add3A_12, %mul3A_14 : vector<16xi32>
    %add3A_16 = arith.addi %mul3A_15, %select_n3A : vector<16xi32>
    %swap3A = arith.constant 0 : index
    %swap3A_17 = tpu.vector_load %arg6[%swap3A] {strides = array<i32>} : memref<128xi32, #tpu.memory_space<vmem>>, vector<16xi32>,
    %swap3A_18 = vector.shape_cast %swap3A_17 : vector<16xi32> to vector<16xi32>
    %swap3A_19 = vector.shape_cast %add3A_16 : vector<16xi32> to vector<16xi32>
    tpu.vector_store %arg6[%swap3A], %swap3A_19 {strides = array<i32>} : memref<128xi32, #tpu.memory_space<vmem>>, vector<16xi32>,
    %get3A_20 = arith.constant 16 : index
    %get3A_21 = tpu.vector_load %arg5[%get3A_20] {strides = array<i32>} : memref<128xi32, #tpu.memory_space<vmem>>, vector<16xi32>,
    %get3A_22 = vector.shape_cast %get3A_21 : vector<16xi32> to vector<16xi32>
    %eq3A_23 = arith.constant 0 : i32
    %eq3A_24 = vector.broadcast %eq3A_23 : i32 to vector<16xi32>
    %eq3A_25 = arith.cmpi eq, %get3A_22, %eq3A_24 : vector<16xi32>
    %sub3A_26 = arith.constant 1 : i32
    %sub3A_27 = vector.broadcast %sub3A_26 : i32 to vector<16xi32>
    %sub3A_28 = arith.subi %get3A_22, %sub3A_27 : vector<16xi32>
    %jit3A_29 = arith.constant 199 : i32
    %broadcast_in_dim3A_30 = vector.broadcast %jit3A_29 : i32 to vector<16xi32>
    %select_n3A_31 = arith.select %eq3A_25, %broadcast_in_dim3A_30, %sub3A_28 : vector<16xi1>, vector<16xi32>
    %add3A_32 = arith.constant 16 : i32
    %add3A_33 = arith.addi %mul3A_2, %add3A_32 : i32
    %iota3A_34 = tpu.iota {dimensions = array<i32: 0>} : vector<16xi32>
    %add3A_35 = vector.broadcast %add3A_33 : i32 to vector<16xi32>
    %add3A_36 = arith.addi %add3A_35, %iota3A_34 : vector<16xi32>
    %mul3A_37 = arith.constant 200 : i32
    %mul3A_38 = vector.broadcast %mul3A_37 : i32 to vector<16xi32>
    %mul3A_39 = arith.muli %add3A_36, %mul3A_38 : vector<16xi32>
    %add3A_40 = arith.addi %mul3A_39, %select_n3A_31 : vector<16xi32>
    %swap3A_41 = arith.constant 16 : index
    %swap3A_42 = tpu.vector_load %arg6[%swap3A_41] {strides = array<i32>} : memref<128xi32, #tpu.memory_space<vmem>>, vector<16xi32>,
    %swap3A_43 = vector.shape_cast %swap3A_42 : vector<16xi32> to vector<16xi32>
    %swap3A_44 = vector.shape_cast %add3A_40 : vector<16xi32> to vector<16xi32>
    tpu.vector_store %arg6[%swap3A_41], %swap3A_44 {strides = array<i32>} : memref<128xi32, #tpu.memory_space<vmem>>, vector<16xi32>,
    %get3A_45 = arith.constant 32 : index
    %get3A_46 = tpu.vector_load %arg5[%get3A_45] {strides = array<i32>} : memref<128xi32, #tpu.memory_space<vmem>>, vector<16xi32>,
    %get3A_47 = vector.shape_cast %get3A_46 : vector<16xi32> to vector<16xi32>
    %eq3A_48 = arith.constant 0 : i32
    %eq3A_49 = vector.broadcast %eq3A_48 : i32 to vector<16xi32>
    %eq3A_50 = arith.cmpi eq, %get3A_47, %eq3A_49 : vector<16xi32>
    %sub3A_51 = arith.constant 1 : i32
    %sub3A_52 = vector.broadcast %sub3A_51 : i32 to vector<16xi32>
    %sub3A_53 = arith.subi %get3A_47, %sub3A_52 : vector<16xi32>
    %jit3A_54 = arith.constant 199 : i32
    %broadcast_in_dim3A_55 = vector.broadcast %jit3A_54 : i32 to vector<16xi32>
    %select_n3A_56 = arith.select %eq3A_50, %broadcast_in_dim3A_55, %sub3A_53 : vector<16xi1>, vector<16xi32>
    %add3A_57 = arith.constant 32 : i32
    %add3A_58 = arith.addi %mul3A_2, %add3A_57 : i32
    %iota3A_59 = tpu.iota {dimensions = array<i32: 0>} : vector<16xi32>
    %add3A_60 = vector.broadcast %add3A_58 : i32 to vector<16xi32>
    %add3A_61 = arith.addi %add3A_60, %iota3A_59 : vector<16xi32>
    %mul3A_62 = arith.constant 200 : i32
    %mul3A_63 = vector.broadcast %mul3A_62 : i32 to vector<16xi32>
    %mul3A_64 = arith.muli %add3A_61, %mul3A_63 : vector<16xi32>
    %add3A_65 = arith.addi %mul3A_64, %select_n3A_56 : vector<16xi32>
    %swap3A_66 = arith.constant 32 : index
    %swap3A_67 = tpu.vector_load %arg6[%swap3A_66] {strides = array<i32>} : memref<128xi32, #tpu.memory_space<vmem>>, vector<16xi32>,
    %swap3A_68 = vector.shape_cast %swap3A_67 : vector<16xi32> to vector<16xi32>
    %swap3A_69 = vector.shape_cast %add3A_65 : vector<16xi32> to vector<16xi32>
    tpu.vector_store %arg6[%swap3A_66], %swap3A_69 {strides = array<i32>} : memref<128xi32, #tpu.memory_space<vmem>>, vector<16xi32>,
    %get3A_70 = arith.constant 48 : index
    %get3A_71 = tpu.vector_load %arg5[%get3A_70] {strides = array<i32>} : memref<128xi32, #tpu.memory_space<vmem>>, vector<16xi32>,
    %get3A_72 = vector.shape_cast %get3A_71 : vector<16xi32> to vector<16xi32>
    %eq3A_73 = arith.constant 0 : i32
    %eq3A_74 = vector.broadcast %eq3A_73 : i32 to vector<16xi32>
    %eq3A_75 = arith.cmpi eq, %get3A_72, %eq3A_74 : vector<16xi32>
    %sub3A_76 = arith.constant 1 : i32
    %sub3A_77 = vector.broadcast %sub3A_76 : i32 to vector<16xi32>
    %sub3A_78 = arith.subi %get3A_72, %sub3A_77 : vector<16xi32>
    %jit3A_79 = arith.constant 199 : i32
    %broadcast_in_dim3A_80 = vector.broadcast %jit3A_79 : i32 to vector<16xi32>
    %select_n3A_81 = arith.select %eq3A_75, %broadcast_in_dim3A_80, %sub3A_78 : vector<16xi1>, vector<16xi32>
    %add3A_82 = arith.constant 48 : i32
    %add3A_83 = arith.addi %mul3A_2, %add3A_82 : i32
    %iota3A_84 = tpu.iota {dimensions = array<i32: 0>} : vector<16xi32>
    %add3A_85 = vector.broadcast %add3A_83 : i32 to vector<16xi32>
    %add3A_86 = arith.addi %add3A_85, %iota3A_84 : vector<16xi32>
    %mul3A_87 = arith.constant 200 : i32
    %mul3A_88 = vector.broadcast %mul3A_87 : i32 to vector<16xi32>
    %mul3A_89 = arith.muli %add3A_86, %mul3A_88 : vector<16xi32>
    %add3A_90 = arith.addi %mul3A_89, %select_n3A_81 : vector<16xi32>
    %swap3A_91 = arith.constant 48 : index
    %swap3A_92 = tpu.vector_load %arg6[%swap3A_91] {strides = array<i32>} : memref<128xi32, #tpu.memory_space<vmem>>, vector<16xi32>,
    %swap3A_93 = vector.shape_cast %swap3A_92 : vector<16xi32> to vector<16xi32>
    %swap3A_94 = vector.shape_cast %add3A_90 : vector<16xi32> to vector<16xi32>
    tpu.vector_store %arg6[%swap3A_91], %swap3A_94 {strides = array<i32>} : memref<128xi32, #tpu.memory_space<vmem>>, vector<16xi32>,
    %get3A_95 = arith.constant 64 : index
    %get3A_96 = tpu.vector_load %arg5[%get3A_95] {strides = array<i32>} : memref<128xi32, #tpu.memory_space<vmem>>, vector<16xi32>,
    %get3A_97 = vector.shape_cast %get3A_96 : vector<16xi32> to vector<16xi32>
    %eq3A_98 = arith.constant 0 : i32
    %eq3A_99 = vector.broadcast %eq3A_98 : i32 to vector<16xi32>
    %eq3A_100 = arith.cmpi eq, %get3A_97, %eq3A_99 : vector<16xi32>
    %sub3A_101 = arith.constant 1 : i32
    %sub3A_102 = vector.broadcast %sub3A_101 : i32 to vector<16xi32>
    %sub3A_103 = arith.subi %get3A_97, %sub3A_102 : vector<16xi32>
    %jit3A_104 = arith.constant 199 : i32
    %broadcast_in_dim3A_105 = vector.broadcast %jit3A_104 : i32 to vector<16xi32>
    %select_n3A_106 = arith.select %eq3A_100, %broadcast_in_dim3A_105, %sub3A_103 : vector<16xi1>, vector<16xi32>
    %add3A_107 = arith.constant 64 : i32
    %add3A_108 = arith.addi %mul3A_2, %add3A_107 : i32
    %iota3A_109 = tpu.iota {dimensions = array<i32: 0>} : vector<16xi32>
    %add3A_110 = vector.broadcast %add3A_108 : i32 to vector<16xi32>
    %add3A_111 = arith.addi %add3A_110, %iota3A_109 : vector<16xi32>
    %mul3A_112 = arith.constant 200 : i32
    %mul3A_113 = vector.broadcast %mul3A_112 : i32 to vector<16xi32>
    %mul3A_114 = arith.muli %add3A_111, %mul3A_113 : vector<16xi32>
    %add3A_115 = arith.addi %mul3A_114, %select_n3A_106 : vector<16xi32>
    %swap3A_116 = arith.constant 64 : index
    %swap3A_117 = tpu.vector_load %arg6[%swap3A_116] {strides = array<i32>} : memref<128xi32, #tpu.memory_space<vmem>>, vector<16xi32>,
    %swap3A_118 = vector.shape_cast %swap3A_117 : vector<16xi32> to vector<16xi32>
    %swap3A_119 = vector.shape_cast %add3A_115 : vector<16xi32> to vector<16xi32>
    tpu.vector_store %arg6[%swap3A_116], %swap3A_119 {strides = array<i32>} : memref<128xi32, #tpu.memory_space<vmem>>, vector<16xi32>,
    %get3A_120 = arith.constant 80 : index
    %get3A_121 = tpu.vector_load %arg5[%get3A_120] {strides = array<i32>} : memref<128xi32, #tpu.memory_space<vmem>>, vector<16xi32>,
    %get3A_122 = vector.shape_cast %get3A_121 : vector<16xi32> to vector<16xi32>
    %eq3A_123 = arith.constant 0 : i32
    %eq3A_124 = vector.broadcast %eq3A_123 : i32 to vector<16xi32>
    %eq3A_125 = arith.cmpi eq, %get3A_122, %eq3A_124 : vector<16xi32>
    %sub3A_126 = arith.constant 1 : i32
    %sub3A_127 = vector.broadcast %sub3A_126 : i32 to vector<16xi32>
    %sub3A_128 = arith.subi %get3A_122, %sub3A_127 : vector<16xi32>
    %jit3A_129 = arith.constant 199 : i32
    %broadcast_in_dim3A_130 = vector.broadcast %jit3A_129 : i32 to vector<16xi32>
    %select_n3A_131 = arith.select %eq3A_125, %broadcast_in_dim3A_130, %sub3A_128 : vector<16xi1>, vector<16xi32>
    %add3A_132 = arith.constant 80 : i32
    %add3A_133 = arith.addi %mul3A_2, %add3A_132 : i32
    %iota3A_134 = tpu.iota {dimensions = array<i32: 0>} : vector<16xi32>
    %add3A_135 = vector.broadcast %add3A_133 : i32 to vector<16xi32>
    %add3A_136 = arith.addi %add3A_135, %iota3A_134 : vector<16xi32>
    %mul3A_137 = arith.constant 200 : i32
    %mul3A_138 = vector.broadcast %mul3A_137 : i32 to vector<16xi32>
    %mul3A_139 = arith.muli %add3A_136, %mul3A_138 : vector<16xi32>
    %add3A_140 = arith.addi %mul3A_139, %select_n3A_131 : vector<16xi32>
    %swap3A_141 = arith.constant 80 : index
    %swap3A_142 = tpu.vector_load %arg6[%swap3A_141] {strides = array<i32>} : memref<128xi32, #tpu.memory_space<vmem>>, vector<16xi32>,
    %swap3A_143 = vector.shape_cast %swap3A_142 : vector<16xi32> to vector<16xi32>
    %swap3A_144 = vector.shape_cast %add3A_140 : vector<16xi32> to vector<16xi32>
    tpu.vector_store %arg6[%swap3A_141], %swap3A_144 {strides = array<i32>} : memref<128xi32, #tpu.memory_space<vmem>>, vector<16xi32>,
    %get3A_145 = arith.constant 96 : index
    %get3A_146 = tpu.vector_load %arg5[%get3A_145] {strides = array<i32>} : memref<128xi32, #tpu.memory_space<vmem>>, vector<16xi32>,
    %get3A_147 = vector.shape_cast %get3A_146 : vector<16xi32> to vector<16xi32>
    %eq3A_148 = arith.constant 0 : i32
    %eq3A_149 = vector.broadcast %eq3A_148 : i32 to vector<16xi32>
    %eq3A_150 = arith.cmpi eq, %get3A_147, %eq3A_149 : vector<16xi32>
    %sub3A_151 = arith.constant 1 : i32
    %sub3A_152 = vector.broadcast %sub3A_151 : i32 to vector<16xi32>
    %sub3A_153 = arith.subi %get3A_147, %sub3A_152 : vector<16xi32>
    %jit3A_154 = arith.constant 199 : i32
    %broadcast_in_dim3A_155 = vector.broadcast %jit3A_154 : i32 to vector<16xi32>
    %select_n3A_156 = arith.select %eq3A_150, %broadcast_in_dim3A_155, %sub3A_153 : vector<16xi1>, vector<16xi32>
    %add3A_157 = arith.constant 96 : i32
    %add3A_158 = arith.addi %mul3A_2, %add3A_157 : i32
    %iota3A_159 = tpu.iota {dimensions = array<i32: 0>} : vector<16xi32>
    %add3A_160 = vector.broadcast %add3A_158 : i32 to vector<16xi32>
    %add3A_161 = arith.addi %add3A_160, %iota3A_159 : vector<16xi32>
    %mul3A_162 = arith.constant 200 : i32
    %mul3A_163 = vector.broadcast %mul3A_162 : i32 to vector<16xi32>
    %mul3A_164 = arith.muli %add3A_161, %mul3A_163 : vector<16xi32>
    %add3A_165 = arith.addi %mul3A_164, %select_n3A_156 : vector<16xi32>
    %swap3A_166 = arith.constant 96 : index
    %swap3A_167 = tpu.vector_load %arg6[%swap3A_166] {strides = array<i32>} : memref<128xi32, #tpu.memory_space<vmem>>, vector<16xi32>,
    %swap3A_168 = vector.shape_cast %swap3A_167 : vector<16xi32> to vector<16xi32>
    %swap3A_169 = vector.shape_cast %add3A_165 : vector<16xi32> to vector<16xi32>
    tpu.vector_store %arg6[%swap3A_166], %swap3A_169 {strides = array<i32>} : memref<128xi32, #tpu.memory_space<vmem>>, vector<16xi32>,
    %get3A_170 = arith.constant 112 : index
    %get3A_171 = tpu.vector_load %arg5[%get3A_170] {strides = array<i32>} : memref<128xi32, #tpu.memory_space<vmem>>, vector<16xi32>,
    %get3A_172 = vector.shape_cast %get3A_171 : vector<16xi32> to vector<16xi32>
    %eq3A_173 = arith.constant 0 : i32
    %eq3A_174 = vector.broadcast %eq3A_173 : i32 to vector<16xi32>
    %eq3A_175 = arith.cmpi eq, %get3A_172, %eq3A_174 : vector<16xi32>
    %sub3A_176 = arith.constant 1 : i32
    %sub3A_177 = vector.broadcast %sub3A_176 : i32 to vector<16xi32>
    %sub3A_178 = arith.subi %get3A_172, %sub3A_177 : vector<16xi32>
    %jit3A_179 = arith.constant 199 : i32
    %broadcast_in_dim3A_180 = vector.broadcast %jit3A_179 : i32 to vector<16xi32>
    %select_n3A_181 = arith.select %eq3A_175, %broadcast_in_dim3A_180, %sub3A_178 : vector<16xi1>, vector<16xi32>
    %add3A_182 = arith.constant 112 : i32
    %add3A_183 = arith.addi %mul3A_2, %add3A_182 : i32
    %iota3A_184 = tpu.iota {dimensions = array<i32: 0>} : vector<16xi32>
    %add3A_185 = vector.broadcast %add3A_183 : i32 to vector<16xi32>
    %add3A_186 = arith.addi %add3A_185, %iota3A_184 : vector<16xi32>
    %mul3A_187 = arith.constant 200 : i32
    %mul3A_188 = vector.broadcast %mul3A_187 : i32 to vector<16xi32>
    %mul3A_189 = arith.muli %add3A_186, %mul3A_188 : vector<16xi32>
    %add3A_190 = arith.addi %mul3A_189, %select_n3A_181 : vector<16xi32>
    %swap3A_191 = arith.constant 112 : index
    %swap3A_192 = tpu.vector_load %arg6[%swap3A_191] {strides = array<i32>} : memref<128xi32, #tpu.memory_space<vmem>>, vector<16xi32>,
    %swap3A_193 = vector.shape_cast %swap3A_192 : vector<16xi32> to vector<16xi32>
    %swap3A_194 = vector.shape_cast %add3A_190 : vector<16xi32> to vector<16xi32>
    tpu.vector_store %arg6[%swap3A_191], %swap3A_194 {strides = array<i32>} : memref<128xi32, #tpu.memory_space<vmem>>, vector<16xi32>,
    %dma_start3A = arith.constant 0 : i32
    %dma_start3A_195 = arith.constant 0 : i32
    %dma_start3A_196 = tpu.memref_slice %arg2[%dma_start3A, %dma_start3A_195] : memref<819200x128xf32, #tpu.memory_space<hbm>> -> memref<819200x128xf32, #tpu.memory_space<hbm>>
    tpu.enqueue_indirect_dma source(%dma_start3A_196 : memref<819200x128xf32, #tpu.memory_space<hbm>>) target(%arg7 : memref<128x128xf32, #tpu.memory_space<vmem>>) offsets(%arg6 : memref<128xi32, #tpu.memory_space<vmem>>) semaphore(%arg8 : memref<!tpu.dma_semaphore, #tpu.memory_space<semaphore_mem>>)
    %dma_wait3A = arith.constant 0 : i32
    %dma_wait3A_197 = arith.constant 0 : i32
    %dma_wait3A_198 = tpu.memref_slice %arg2[%dma_wait3A, %dma_wait3A_197] : memref<819200x128xf32, #tpu.memory_space<hbm>> -> memref<819200x128xf32, #tpu.memory_space<hbm>>
    tpu.wait_indirect_dma semaphore(%arg8 : memref<!tpu.dma_semaphore, #tpu.memory_space<semaphore_mem>>) src(%dma_wait3A_198 : memref<819200x128xf32, #tpu.memory_space<hbm>>) dst(%arg7 : memref<128x128xf32, #tpu.memory_space<vmem>>)
    "tpu.region"() ({
      %run_scoped3A = tpu.sem_alloc : memref<!tpu.dma_semaphore, #tpu.memory_space<semaphore_mem>>
      %dma_start3A_199 = arith.constant 0 : i32
      %dma_start3A_200 = tpu.memref_slice %arg4[%mul3A_2, %dma_start3A_199] : memref<4096x128xf32, #tpu.memory_space<hbm>> -> memref<128x128xf32, #tpu.memory_space<hbm>>
      %dma_start3A_201 = arith.constant 0 : i32
      %dma_start3A_202 = tpu.memref_slice %arg4[%mul3A_2, %dma_start3A_201] : memref<4096x128xf32, #tpu.memory_space<hbm>> -> memref<128x128xf32, #tpu.memory_space<hbm>>
      tpu.enqueue_dma source(%arg7 : memref<128x128xf32, #tpu.memory_space<vmem>>) target(%dma_start3A_202 : memref<128x128xf32, #tpu.memory_space<hbm>>) target_semaphore(%run_scoped3A : memref<!tpu.dma_semaphore, #tpu.memory_space<semaphore_mem>>)
      %dma_wait3A_203 = arith.constant 0 : i32
      %dma_wait3A_204 = tpu.memref_slice %arg4[%mul3A_2, %dma_wait3A_203] : memref<4096x128xf32, #tpu.memory_space<hbm>> -> memref<128x128xf32, #tpu.memory_space<hbm>>
      %dma_wait3A_205 = arith.constant 0 : i32
      %dma_wait3A_206 = tpu.memref_slice %arg4[%mul3A_2, %dma_wait3A_205] : memref<4096x128xf32, #tpu.memory_space<hbm>> -> memref<128x128xf32, #tpu.memory_space<hbm>>
      tpu.wait_dma2 semaphore(%run_scoped3A : memref<!tpu.dma_semaphore, #tpu.memory_space<semaphore_mem>>) src(%arg7 : memref<128x128xf32, #tpu.memory_space<vmem>>) dst(%dma_wait3A_206 : memref<128x128xf32, #tpu.memory_space<hbm>>)
      tpu.yield
    }) : () -> ()
    return
  }
}

</mosaic_0001>

<sc_bundles>
// kernel: kernel.3.cloned.1.call-start
scs
__scs_entry_jumppad:
0x0: {  	(pc) =	sbr.rel $0x88, $3  }
0x1: {  	(tag) =	ssettag $0x0;
	lr =	simm.s32 $0x1  }
0x2: {  	[smem:$0x3F9F] =	sst lr;
	_ =	strace $0xD0000000  }
0x3: {  	_ = 	snop  }
0x4: {  	_ = 	snop  }
0x5: {  	_ = 	snop  }
0x6: {  	_ = 	snop  }
0x7: {  	_ = 	snop  }
__scs_overlays_trampoline_lowered:
0x8: {  	[smem:$0x3FAE] =	sst s0  }
0x9: {  	[smem:$0x3FAF] =	sst s1  }
0xa: {  	[smem:$0x3FB0] =	sst s2  }
0xb: {  	[smem:$0x3FB1] =	sst s3  }
0xc: {  	[smem:$0x3FB2] =	sst s4  }
0xd: {  	[smem:$0x3FB3] =	sst s5  }
0xe: {  	[smem:$0x3FB4] =	sst s6  }
0xf: {  	[smem:$0x3FB5] =	sst s7  }
0x10: {  	[smem:$0x3FB6] =	sst s8  }
0x11: {  	[smem:$0x3FB7] =	sst s9;
	s0 =	simm.s32 @!p0 $0x0  }
0x12: {  	s1 =	sld [smem:$0x3F9D];
	s0 =	simm.s32 @p0 $0x1  }
0x13: {  	[smem:$0x3FB8] =	sst s0;
	s0 =	simm.s32 @!p1 $0x0  }
0x14: {  	s2 =	sld [smem:$0x3F9C];
	s0 =	simm.s32 @p1 $0x1  }
0x15: {  	[smem:$0x3FB9] =	sst s0;
	s0 =	simm.s32 @!p2 $0x0  }
0x16: {  	s3 =	sld [smem:$0x3FDB];
	s0 =	simm.s32 @p2 $0x1  }
0x17: {  	s4 =	simm.s32 $0x1BF5;
	[smem:$0x3FBB] =	sst s0  }
0x18: {  	s0 =	sld [smem:$0x3F9E];
	_ =	swait.ge [sflag:s4], $0x0  }
0x19: {  	s7 =	sld [smem:$0x3F9F]  }
0x1a: {  	s8 =	sadd.s32 $0xFFFFE003, lr  }
0x1b: {  	s9 =	sadd.s32 $0xFFFFFEF7, lr;
	s5 =	simm.s32 $0xFFFFFFFF;
	p2 =	slt.u32 s8, $0xFFFFF086  }
0x1c: {  	p1 =	slt.u32 s9, $0xF7A;
	s5 =	simm.s32 @!p2 $0x0  }
0x1d: {  	s5 =	simm.s32 @p1 $0x1;
	p0 =	seq.s32 s7, s2  }
0x1e: {  	s7 =	smul.u32 @!p0 $0xF7A, s2;
	p2 =	seq.s32 @!p0 s5, $0x0  }
0x1f: {  	s9 =	smul.u32 $0xF7A, s1;
	s8 =	simm.s32 @!p0 $0x1BF5;
	p2 =	por !p2, p0  }
0x20: {  	[sflag:s8] =	ssyncset.s32 @!p0 $0xFFFFF086;
	s6 =	sadd.s32 @!p0 s3, s7;
	s7 =	simm.s32 @!p0 $0x108  }
0x21: {  	s3 =	sadd.s32 s3, s9;
	s6 =	sadd.s32 @!p0 $0x88, s6;
	s7 =	simm.s32 @p2 $0x1082  }
0x22: {  	[simem:s7], [sflag:s8] =	dma.local @!p0 [hbm:s6], $0xF7A  }
0x23: {  	s9 =	sor.u32 $0xD0000000, s2;
	s6 =	simm.s32 $0x108;
	_ =	swait.ge @!p0 [sflag:s8], $0x0  }
0x24: {  	s3 =	sadd.s32 $0x88, s3;
	s6 =	simm.s32 @!p1 $0x1082;
	[sflag:s4] =	ssyncset.s32 $0xFFFFF086  }
0x25: {  	[simem:s6], [sflag:s4] =	dma.local [hbm:s3], $0xF7A  }
0x26: {  	[smem:$0x3F9F] =	sst s1;
	(tag) =	ssettag s2;
	_ =	strace s9  }
0x27: {  	s1 =	sld [smem:$0x3FAF]  }
0x28: {  	s2 =	sld [smem:$0x3FB0]  }
0x29: {  	s4 =	sld [smem:$0x3FB2]  }
0x2a: {  	p0 =	seq.s32 s5, $0x0;
	s5 =	sld [smem:$0x3FB3]  }
0x2b: {  	s6 =	sld [smem:$0x3FB4]  }
0x2c: {  	s7 =	sld [smem:$0x3FB5]  }
0x2d: {  	s3 =	simm.s32 $0x108;
	s8 =	sld [smem:$0x3FB6]  }
0x2e: {  	s3 =	simm.s32 @!p0 $0x1082;
	s9 =	sld [smem:$0x3FB7]  }
0x2f: {  	lr =	sadd.s32 s0, s3;
	s0 =	sld [smem:$0x3FAE]  }
0x30: {  	s3 =	sld [smem:$0x3FB1]  }
0x31: {  	[smem:$0x3FBA] =	sst s10  }
0x32: {  	s10 =	sld [smem:$0x3FB8];
	_ =	sdelay $0x3  }
0x33: {  	p0 =	seq.s32 s10, $0x1;
	s10 =	sld [smem:$0x3FBA];
	_ =	sdelay $0x3  }
0x34: {  	[smem:$0x3FBA] =	sst s10  }
0x35: {  	s10 =	sld [smem:$0x3FB9];
	_ =	sdelay $0x3  }
0x36: {  	p1 =	seq.s32 s10, $0x1;
	s10 =	sld [smem:$0x3FBA];
	_ =	sdelay $0x3  }
0x37: {  	[smem:$0x3FBA] =	sst s10  }
0x38: {  	s10 =	sld [smem:$0x3FBB]  }
0x39: {  	_ = 	snop;
	(pc) =	sbr.ind lr, $3  }
0x3a: {  	_ = 	snop  }
0x3b: {  	_ = 	snop  }
0x3c: {  	p2 =	seq.s32 s10, $0x1;
	s10 =	sld [smem:$0x3FBA]  }
0x3d: {  	_ =	shalt  }
0x3e: {  	_ =	shalt  }
0x3f: {  	_ =	shalt  }
0x40: {  	_ =	shalt  }
0x41: {  	_ =	shalt  }
0x42: {  	_ =	shalt  }
0x43: {  	_ =	shalt  }
0x44: {  	_ =	shalt  }
0x45: {  	_ =	shalt  }
0x46: {  	_ =	shalt  }
0x47: {  	_ =	shalt  }
0x48: {  	_ =	shalt  }
0x49: {  	_ =	shalt  }
0x4a: {  	_ =	shalt  }
0x4b: {  	_ =	shalt  }
0x4c: {  	_ =	shalt  }
0x4d: {  	_ =	shalt  }
0x4e: {  	_ =	shalt  }
0x4f: {  	_ =	shalt  }
0x50: {  	_ =	shalt  }
0x51: {  	_ =	shalt  }
0x52: {  	_ =	shalt  }
0x53: {  	_ =	shalt  }
0x54: {  	_ =	shalt  }
0x55: {  	_ =	shalt  }
0x56: {  	_ =	shalt  }
0x57: {  	_ =	shalt  }
0x58: {  	_ =	shalt  }
0x59: {  	_ =	shalt  }
0x5a: {  	_ =	shalt  }
0x5b: {  	_ =	shalt  }
0x5c: {  	_ =	shalt  }
0x5d: {  	_ =	shalt  }
0x5e: {  	_ =	shalt  }
0x5f: {  	_ =	shalt  }
0x60: {  	_ =	shalt  }
0x61: {  	_ =	shalt  }
0x62: {  	_ =	shalt  }
0x63: {  	_ =	shalt  }
0x64: {  	_ =	shalt  }
0x65: {  	_ =	shalt  }
0x66: {  	_ =	shalt  }
0x67: {  	_ =	shalt  }
0x68: {  	_ =	shalt  }
0x69: {  	_ =	shalt  }
0x6a: {  	_ =	shalt  }
0x6b: {  	_ =	shalt  }
0x6c: {  	_ =	shalt  }
0x6d: {  	_ =	shalt  }
0x6e: {  	_ =	shalt  }
0x6f: {  	_ =	shalt  }
0x70: {  	_ =	shalt  }
0x71: {  	_ =	shalt  }
0x72: {  	_ =	shalt  }
0x73: {  	_ =	shalt  }
0x74: {  	_ =	shalt  }
0x75: {  	_ =	shalt  }
0x76: {  	_ =	shalt  }
0x77: {  	_ =	shalt  }
0x78: {  	_ =	shalt  }
0x79: {  	_ =	shalt  }
0x7a: {  	_ =	shalt  }
0x7b: {  	_ =	shalt  }
0x7c: {  	_ =	shalt  }
0x7d: {  	_ =	shalt  }
0x7e: {  	_ =	shalt  }
0x7f: {  	_ =	shalt  }
0x80: {  	_ =	shalt  }
0x81: {  	_ =	shalt  }
0x82: {  	_ =	shalt  }
0x83: {  	_ =	shalt  }
0x84: {  	_ =	shalt  }
0x85: {  	_ =	shalt  }
0x86: {  	_ =	shalt  }
0x87: {  	_ =	shalt  }
.Lfunc_end0:
.L_simem_size_0:
called_computation_lowered:
.L_overlay_start_0:
0x88: {  	s2 =	sld [smem:$0x3FD9]  }
0x89: {  	s3 =	sld [smem:$0x3FFE];
	_ =	sdelay $0x1  }
0x8a: {  	s1 =	srdreg.scid  }
0x8b: {  	s0 =	sand.u32 $0x1, s1  }
0x8c: {  	s17 =	sshll.u32 s0, $0xA;
	s2 =	sadd.s32 s3, s2  }
0x8d: {  	s2 =	sadd.s32 s2, s17  }
0x8e: {  	[smem:$0x3FC6] =	sst s2  }
0x8f: {  	_ = 	snop  }
0x90: {  	s2 =	sld [smem:$0x3FC9]  }
0x91: {  	s18 =	sld [smem:$0x3FC8];
	(tm) =	ssettm $0x1  }
0x92: {  	s4 =	sld [smem:$0x3FFB];
	_ =	sdelay $0x3  }
0x93: {  	_ =	strace s4  }
0x94: {  	s4 =	sld [smem:$0x3FFC];
	_ =	sdelay $0x3  }
0x95: {  	_ =	strace s4  }
0x96: {  	s4 =	sld [smem:$0x3FFD];
	_ =	sdelay $0x3  }
0x97: {  	_ =	strace s4  }
0x98: {  	_ =	strace $0x8FFFFFFF  }
0x99: {  	s19 =	sld [smem:$0x3FDB];
	_ =	sdelay $0x1  }
0x9a: {  	s5 =	simm.s32 $_scs_section_size  }
0x9b: {  	s6 =	simm.s32 $_size__tile_overlayer_lowered;
	s7 =	simm.s32 $_tile_overlayer_lowered  }
0x9c: {  	s22 =	simm.s32 $0x1BFF;
	s21 =	sshll.u32 s7, $0x1;
	s4 =	sadd.s32 s5, s19  }
0x9d: {  	s8 =	simm.s32 $0x0;
	s20 =	sshll.u32 s6, $0x1;
	s6 =	sadd.s32 s21, s4  }
0x9e: {  	[timem:s8], [sflag:s22] =	dma.local [hbm:s6], s20  }
0x9f: {  	_ =	swait.ge [sflag:s22], s20  }
0xa0: {  	s5 =	ssub.s32 $0x0, s20;
	[sflag:s22] =	ssyncset.done $0x0  }
0xa1: {  	[sflag:s22] =	ssyncadd.s32 s5;
	_ =	sdelay $0x1  }
0xa2: {  	s23 =	simm.s32 $0x1B8B  }
0xa3: {  	_ =	swait.ge [sflag:s23], $0x1  }
0xa4: {  	[sflag:s23] =	ssyncset.done $0x0  }
0xa5: {  	s25 =	simm.s32 $0x1B8E;
	s24 =	sld [smem:$0x3FFE];
	[sflag:s23] =	ssyncadd.s32 $0xFFFFFFFF  }
0xa6: {  	s26 =	simm.s32 $execute0_lowered;
	[smem:$0x3FD2] =	sst s25  }
0xa7: {  	s6 =	sshll.u32 s26, $0x1;
	_ =	strace $0x80000046;
	[dreg:$0x1] =	wrdreg $0xFFFFFFFF  }
0xa8: {  	s28 =	simm.s32 $_size_execute0_lowered;
	s4 =	sadd.s32 s4, s6;
	[dreg:$0x0] =	wrdreg $0x0  }
0xa9: {  	s6 =	sshll.u32 s28, $0x1;
	[dreg:$0x2] =	wrdreg s4  }
0xaa: {  	[dreg:$0x3] =	wrdreg s6  }
0xab: {  	[dreg:$0x4] =	wrdreg $0xC0  }
0xac: {  	_ =	task [dreg:s8], $0x5FFFF  }
0xad: {  	[dreg:$0x1] =	wrdreg $0xFFFFFFFF  }
0xae: {  	[dreg:$0x0] =	wrdreg $0x60  }
0xaf: {  	[dreg:$0x2] =	wrdreg s2  }
0xb0: {  	[dreg:$0x3] =	wrdreg s18  }
0xb1: {  	[dreg:$0x4] =	wrdreg s24  }
0xb2: {  	[dreg:$0x5] =	wrdreg $0x9  }
0xb3: {  	_ =	task.clear_ibuf [dreg:s8], $0x6FFFF;
	_ =	strace $0x90000046  }
0xb4: {  	s29 =	simm.s32 $0x9;
	_ =	strace $0x80000048  }
0xb5: {  	_ =	swait.ge [sflag:s29], $0x1  }
0xb6: {  	[sflag:s29] =	ssyncadd.s32 $0xFFFFFFFF  }
0xb7: {  	_ =	strace $0x90000048  }
0xb8: {  	_ =	sfence  }
0xb9: {  	s30 =	sld [smem:$0x0];
	_ =	sdelay $0x2  }
0xba: {  	s31 =	sshll.u32 s1, $0xD;
	s1 =	sshrl.u32 s1, $0x2  }
0xbb: {  	s3 =	sand.u32 $0x4000, s31;
	s1 =	sadd.s32 s1, s30  }
0xbc: {  	s0 =	sor.u32 s3, s0;
	s1 =	sshll.u32 s1, $0x11  }
0xbd: {  	s0 =	sor.u32 s1, s0  }
0xbe: {  	s0 =	sadd.s32 $0x8F2B, s0  }
0xbf: {  	[sflag:s0] =	ssyncadd.remote.s32 $0x1  }
0xc0: {  	_ =	sfence.sel $0xFFFF  }
0xc1: {  	[dreg:$0x0] =	wrdreg $0xFFFFFFFF;
	(pc) =	sbr.abs _section_cstart, $3  }
0xc2: {  	[dreg:$0x1] =	wrdreg $0xFFFFFFFF  }
0xc3: {  	_ =	task.clear_ibuf [dreg:s8], $0x2FFFF;
	_ =	strace $0x9FFFFFFF  }
0xc4: {  	(tm) =	ssettm $0x7FFFFFFF  }
0xc5: {  	_ =	shalt  }
tec
execute0_lowered:
.L_overlay_start_1:
0x0: {  	(tag) =	ssettag $0x1  }
0x1: {  	s1 =	srdreg.scid  }
0x2: {  	s0 =	stileid.u32;
	s2 =	rddreg [dreg:$0x0];
	s8 =	sand.u32 $0x1, s1  }
0x3: {  	s4 =	rddreg [dreg:$0x1];
	s23 =	sshll.u32 s0, $0x8;
	s3 =	sshll.u32 s8, $0x7  }
0x4: {  	s6 =	rddreg [dreg:$0x2];
	s7 =	sor.u32 s3, s23  }
0x5: {  	s1 =	rddreg [dreg:$0x3];
	s3 =	simm.s32 $0x0;
	s5 =	sor.u32 $0x10, s7  }
0x6: {  	[smem:$0x7FF] =	sst s3;
	s9 =	sshrl.u32 s7, $0x3;
	s24 =	sor.u32 $0x30, s7  }
0x7: {  	v2 =	vmov s5;
	_ =	strace $0x80000047;
	s5 =	sadd.s32 s4, s9;
	s4 =	simm.s32 $0x2  }
0x8: {  	v1 =	vlaneseq.u32;
	v0 =	vmov s7;
	[tilespmem:s3], [sflag:$0x2] =	stream.linear.gather [hbm4b:s5+s3], $0x80, $0x38;
	[tilespmem:$0x4100] =	vst v63  }
0x9: {  	v7 =	vmul.u32 $0xC8, v1;
	s25 =	sor.u32 $0x40, s7;
	s26 =	sor.u32 $0x50, s7;
	v0 =	vmul.u32 $0xC8, v0;
	_ =	swait.ge [sflag:s4], $0x80  }
0xa: {  	s28 =	sor.u32 $0x60, s7;
	s29 =	sor.u32 $0x70, s7;
	v3 =	vmov s24;
	v4 =	vmov s25;
	v5 =	vmov s26;
	[sflag:s4] =	ssyncset.done $0x0  }
0xb: {  	s10 =	sor.u32 $0x20, s7;
	v6 =	vmov s28;
	v8 =	vmov s29;
	v1 =	vmul.u32 $0xC8, v2;
	[sflag:s4] =	ssyncadd.s32 $0xFFFFFF80  }
0xc: {  	v2 =	vmov s10;
	v3 =	vmul.u32 $0xC8, v3;
	v4 =	vmul.u32 $0xC8, v4;
	v9 =	vld [tilespmem:$0x70]  }
0xd: {  	v5 =	vmul.u32 $0xC8, v5;
	v6 =	vmul.u32 $0xC8, v6;
	v0 =	vbroadcast v0, $0x0;
	v10 =	vld [tilespmem:$0x60]  }
0xe: {  	v8 =	vmul.u32 $0xC8, v8;
	v1 =	vbroadcast v1, $0x0;
	v11 =	vbroadcast v4, $0x0;
	v13 =	vld [tilespmem:$0x20]  }
0xf: {  	v2 =	vmul.u32 $0xC8, v2;
	v3 =	vbroadcast v3, $0x0;
	v12 =	vbroadcast v5, $0x0;
	v14 =	vld [tilespmem:$0x0]  }
0x10: {  	v6 =	vbroadcast v6, $0x0;
	v8 =	vbroadcast v8, $0x0;
	v5 =	vadd.s32 v7, v11;
	v11 =	vld [tilespmem:$0x10]  }
0x11: {  	v0 =	vadd.s32 v7, v0;
	v2 =	vbroadcast v2, $0x0;
	v1 =	vadd.s32 v7, v1;
	v59 =	vld [tilespmem:$0x40]  }
0x12: {  	v4 =	vadd.s32 v7, v3;
	v3 =	vadd.s32 v7, v12;
	v6 =	vadd.s32 v7, v6;
	v16 =	vld [tilespmem:$0x50]  }
0x13: {  	v2 =	vadd.s32 v7, v2;
	v7 =	vadd.s32 v7, v8;
	vm0 =	veq.s32 v9, $0x0  }
0x14: {  	s8 =	ssub.s32 $0x2, s8;
	v9 =	vadd.s32 $0xFFFFFFFF, v9;
	vm1 =	veq.s32 v10, $0x0;
	v10 =	vadd.s32 $0xFFFFFFFF, v10  }
0x15: {  	s30 =	sshrl.u32 s8, $0x1;
	v8 =	vld [tilespmem:$0x30];
	v15 =	vadd.s32 $0xFFFFFFFF, v13;
	v17 =	vadd.s32 $0xFFFFFFFF, v14;
	vm11 =	veq.s32 v14, $0x0  }
0x16: {  	s8 =	ssub.s32 s8, s30;
	vm12 =	veq.s32 v13, $0x0;
	v61 =	vadd.s32 $0xFFFFFFFF, v11;
	v63 =	vadd.s32 $0xFFFFFFFF, v59  }
0x17: {  	s31 =	smax.u32 s8, $0x1;
	vm14 =	veq.s32 v11, $0x0;
	vm2 =	veq.s32 v16, $0x0;
	v9 =	vsel vm0, $0xC7, v9  }
0x18: {  	p0 =	sne.s32 s31, $0x1;
	vm15 =	veq.s32 v59, $0x0;
	v10 =	vsel vm1, $0xC7, v10;
	v9 =	vadd.s32 v9, v7  }
.Ltmp0:
0x19: {  	v11 =	vadd.s32 $0xFFFFFFFF, v16;
	v15 =	vsel vm12, $0xC7, v15;
	v10 =	vadd.s32 v10, v6;
	[tilespmem:$0xF0] =	vst v9;
	(pc) =	sbr.rel @!p0 .LBB2_2-.Ltmp0, $4  }
0x1a: {  	v60 =	vsel vm11, $0xC7, v17;
	vm13 =	veq.s32 v8, $0x0;
	v62 =	vadd.s32 v15, v2;
	[tilespmem:$0xE0] =	vst v10  }
0x1b: {  	s7 =	sshll.u32 s7, $0x4;
	v8 =	vadd.s32 $0xFFFFFFFF, v8;
	v9 =	vadd.s32 v60, v0;
	[tilespmem:$0xA0] =	vst v62;
	v10 =	vsel vm14, $0xC7, v61  }
0x1c: {  	s6 =	sadd.s32 s7, s6;
	s7 =	simm.s32 $0x80;
	s8 =	simm.s32 $0x100;
	v8 =	vsel vm13, $0xC7, v8;
	[tilespmem:$0x80] =	vst v9;
	v9 =	vadd.s32 v10, v1;
	v10 =	vsel vm15, $0xC7, v63  }
0x1d: {  	s9 =	simm.s32 $0x1;
	s6 =	sadd.s32 $0x400, s6;
	s10 =	sadd.s32 $0xFFFFFFFF, s31;
	[tilespmem:$0x90] =	vst v9;
	v9 =	vadd.s32 v8, v4;
	v8 =	vadd.s32 v10, v5;
	v10 =	vsel vm2, $0xC7, v11  }
.LBB2_1:
0x1e: {  	p0 =	sne.s32 s10, $0x1;
	s10 =	sadd.s32 $0xFFFFFFFF, s10;
	[tilespmem:$0xB0] =	vst v9;
	v9 =	vadd.s32 v10, v3  }
0x1f: {  	[tilespmem:$0xD0] =	vst v9  }
0x20: {  	[tilespmem:$0xC0] =	vst v8  }
0x21: {  	[tilespmem:s8], [sflag:$0x1] =	stream.indirect.gather [hbm4b:s2+s7], $0x80, s7, s7, $0xb8;
	[tilespmem:$0x4100] =	vst v63  }
0x22: {  	_ =	swait.ge [sflag:s9], $0x4000  }
0x23: {  	[sflag:s9] =	ssyncset.done $0x0  }
0x24: {  	[sflag:s9] =	ssyncadd.s32 $0xFFFFC000  }
0x25: {  	[hbm4b:s6+s3] =	stream.linear.scatter [tilespmem:s8], [sflag:$0x2], $0x4000, $0x38;
	[tilespmem:$0x4100] =	vst v63  }
0x26: {  	_ =	swait.ge [sflag:s4], $0x4000  }
0x27: {  	[sflag:s4] =	ssyncset.done $0x0  }
0x28: {  	[sflag:s4] =	ssyncadd.s32 $0xFFFFC000  }
0x29: {  	[tilespmem:s3], [sflag:$0x2] =	stream.linear.gather [hbm4b:s5+s3], $0x80, $0x38;
	[tilespmem:$0x4100] =	vst v63  }
0x2a: {  	_ =	swait.ge [sflag:s4], $0x80  }
0x2b: {  	[sflag:s4] =	ssyncset.done $0x0  }
0x2c: {  	[sflag:s4] =	ssyncadd.s32 $0xFFFFFF80  }
0x2d: {  	v8 =	vld [tilespmem:$0x70]  }
0x2e: {  	v9 =	vld [tilespmem:$0x60]  }
0x2f: {  	v10 =	vld [tilespmem:$0x20]  }
0x30: {  	v11 =	vld [tilespmem:$0x0]  }
0x31: {  	v12 =	vld [tilespmem:$0x10]  }
0x32: {  	v13 =	vld [tilespmem:$0x30];
	vm0 =	veq.s32 v8, $0x0;
	v8 =	vadd.s32 $0xFFFFFFFF, v8  }
0x33: {  	v14 =	vld [tilespmem:$0x40];
	vm1 =	veq.s32 v9, $0x0;
	v9 =	vadd.s32 $0xFFFFFFFF, v9;
	v8 =	vsel vm0, $0xC7, v8  }
0x34: {  	v15 =	vadd.s32 $0xFFFFFFFF, v10;
	v16 =	vld [tilespmem:$0x50];
	v9 =	vsel vm1, $0xC7, v9;
	v8 =	vadd.s32 v8, v7  }
0x35: {  	v17 =	vadd.s32 $0xFFFFFFFF, v11;
	v9 =	vadd.s32 v9, v6;
	[tilespmem:$0xF0] =	vst v8  }
0x36: {  	vm1 =	veq.s32 v10, $0x0;
	vm0 =	veq.s32 v11, $0x0;
	v8 =	vadd.s32 $0xFFFFFFFF, v12;
	[tilespmem:$0xE0] =	vst v9  }
0x37: {  	v10 =	vsel vm1, $0xC7, v15;
	v9 =	vsel vm0, $0xC7, v17;
	vm0 =	veq.s32 v13, $0x0  }
.Ltmp1:
0x38: {  	v10 =	vadd.s32 v10, v2;
	v9 =	vadd.s32 v9, v0;
	v11 =	vadd.s32 $0xFFFFFFFF, v14;
	(pc) =	sbr.rel @p0 .LBB2_1-.Ltmp1, $4  }
0x39: {  	vm1 =	veq.s32 v12, $0x0;
	[tilespmem:$0xA0] =	vst v10;
	v10 =	vadd.s32 $0xFFFFFFFF, v13;
	vm2 =	veq.s32 v16, $0x0  }
0x3a: {  	v8 =	vsel vm1, $0xC7, v8;
	[tilespmem:$0x80] =	vst v9;
	v9 =	vsel vm0, $0xC7, v10;
	vm0 =	veq.s32 v14, $0x0  }
0x3b: {  	v8 =	vadd.s32 v8, v1;
	v10 =	vsel vm0, $0xC7, v11;
	v11 =	vadd.s32 $0xFFFFFFFF, v16  }
0x3c: {  	v9 =	vadd.s32 v9, v4;
	[tilespmem:$0x90] =	vst v8;
	v8 =	vadd.s32 v10, v5;
	v10 =	vsel vm2, $0xC7, v11  }
.LBB2_2:
0x3d: {  	[tilespmem:$0xB0] =	vst v9  }
0x3e: {  	v0 =	vadd.s32 v10, v3;
	[tilespmem:$0xC0] =	vst v8  }
0x3f: {  	[tilespmem:$0xD0] =	vst v0  }
0x40: {  	[tilespmem:s8], [sflag:$0x1] =	stream.indirect.gather [hbm4b:s2+s7], $0x80, s7, s7, $0xb8;
	[tilespmem:$0x4100] =	vst v63  }
0x41: {  	_ =	swait.ge [sflag:s9], $0x4000  }
0x42: {  	[sflag:s9] =	ssyncset.done $0x0  }
0x43: {  	[sflag:s9] =	ssyncadd.s32 $0xFFFFC000  }
0x44: {  	[hbm4b:s6+s3] =	stream.linear.scatter [tilespmem:s8], [sflag:$0x2], $0x4000, $0x38;
	[tilespmem:$0x4100] =	vst v63  }
0x45: {  	_ =	swait.ge [sflag:s4], $0x4000  }
0x46: {  	[sflag:s4] =	ssyncset.done $0x0  }
0x47: {  	[sflag:s4] =	ssyncadd.s32 $0xFFFFC000  }
0x48: {  	_ =	sfence.sel $0x180000  }
0x49: {  	[bflag:$0x0] =	sbarrier.arrive $0xFFFF  }
0x4a: {  	p0 =	sne.s32 s0, $0x0;
	_ =	strace $0x90000047  }
0x4b: {  	s0 =	sadd.s32 @!p0 $0x100000, s1;
	[bflag:$0x2] =	sbarrier.arrive $0xFFFF  }
0x4c: {  	[sflag:s0] =	ssyncadd.tile.s32 @!p0 $0x1;
	_ =	shalt  }
.Lfunc_end2:
_tile_overlayer_lowered:
.L_overlay_start_2:
0x4d: {  	(tag) =	ssettag $0x2  }
0x4e: {  	s0 =	rddreg [dreg:$0x0];
	s2 =	stileid.u32  }
0x4f: {  	s1 =	rddreg [dreg:$0x1];
	p0 =	sne.s32 s2, $0x0  }
0x50: {  	s3 =	rddreg [dreg:$0x2];
	[bflag:$0x3] =	sbarrier.arrive $0xFFFF;
	s2 =	simm.s32 @!p0 $0x1C02  }
0x51: {  	[timem:s3], [sflag:s2] =	dma.local @!p0 [hbm:s0], s1  }
0x52: {  	s0 =	simm.s32 @!p0 $0x2  }
0x53: {  	_ =	swait.ge @!p0 [sflag:s0], s1  }
0x54: {  	s1 =	ssub.s32 @!p0 $0x0, s1;
	[sflag:s0] =	ssyncset.done @!p0 $0x0  }
0x55: {  	[sflag:s0] =	ssyncadd.s32 @!p0 s1  }
0x56: {  	[bflag:$0x3] =	sbarrier.arrive $0xFFFF  }
0x57: {  	_ =	shalt  }

</sc_bundles>
